<compile_context>
chip_gen: v7x
topology: tpu7x:2x2x1
jax: 0.10.2.dev20260603
libtpu: 0.0.44.dev20260713+nightly
codegen_flags: <defaults>
</compile_context>

<pallas_src>
import functools

import jax
import jax.numpy as jnp
from jax import lax
from jax.experimental import pallas as pl
from jax.experimental.pallas import tpu as pltpu
from jax.experimental.pallas import tpu_sc as plsc

_CAP = 100000
_DIM = 128
_BATCH = 4096
_NCHUNK = 20
_CHUNK = _CAP // _NCHUNK


def _fill_body(wp_ref, full_ref, state_hbm, out_hbm, mean_out, ptr_out, full_out,
               zeros_vmem, state_vmem, mean_vmem, zero_sems, state_sem, mean_sem):
    state_in = pltpu.make_async_copy(state_hbm, state_vmem, state_sem)
    state_in.start()
    nxt = wp_ref[0] + 1
    ptr_out[0] = lax.rem(nxt, _CAP)
    full_out[0] = jnp.logical_or(full_ref[0], nxt == _CAP)
    zeros_vmem[...] = jnp.zeros_like(zeros_vmem)
    for k in range(_NCHUNK):
        pltpu.make_async_copy(
            zeros_vmem,
            out_hbm.at[pl.ds(k * _CHUNK, _CHUNK), :],
            zero_sems.at[k],
        ).start()
    state_in.wait()
    mean_vmem[...] = jnp.mean(state_vmem[...], axis=0, keepdims=True)
    mean_cp = pltpu.make_async_copy(mean_vmem, mean_out, mean_sem)
    mean_cp.start()
    for k in range(_NCHUNK):
        pltpu.make_async_copy(
            zeros_vmem,
            out_hbm.at[pl.ds(k * _CHUNK, _CHUNK), :],
            zero_sems.at[k],
        ).wait()
    mean_cp.wait()


@functools.partial(
    pl.kernel,
    mesh=plsc.VectorSubcoreMesh(core_axis_name="c", subcore_axis_name="s"),
    scratch_types=[
        pltpu.VMEM((1,), jnp.int32),
        pltpu.VMEM((1, _DIM), jnp.float32),
        pltpu.SemaphoreType.DMA,
    ],
)
def _sc_scatter(mem_ref, mean_hbm, wp_hbm, idx_vmem, row_vmem, sem):
    cid = lax.axis_index("c")
    sid = lax.axis_index("s")

    @pl.when(jnp.logical_and(cid == 0, sid == 0))
    def _():
        pltpu.sync_copy(wp_hbm, idx_vmem)
        pltpu.sync_copy(mean_hbm, row_vmem)
        cp = pltpu.make_async_copy(row_vmem, mem_ref.at[idx_vmem], sem)
        cp.start()
        cp.wait()


def kernel(state, memory_states, write_pointer, is_full):
    filled, mean_row, new_pointer, new_is_full = pl.pallas_call(
        _fill_body,
        in_specs=[
            pl.BlockSpec(memory_space=pltpu.SMEM),
            pl.BlockSpec(memory_space=pltpu.SMEM),
            pl.BlockSpec(memory_space=pl.ANY),
        ],
        out_specs=[
            pl.BlockSpec(memory_space=pl.ANY),
            pl.BlockSpec(memory_space=pl.ANY),
            pl.BlockSpec(memory_space=pltpu.SMEM),
            pl.BlockSpec(memory_space=pltpu.SMEM),
        ],
        out_shape=[
            jax.ShapeDtypeStruct((_CAP, _DIM), jnp.float32),
            jax.ShapeDtypeStruct((1, _DIM), jnp.float32),
            jax.ShapeDtypeStruct((1,), jnp.int32),
            jax.ShapeDtypeStruct((1,), jnp.bool_),
        ],
        scratch_shapes=[
            pltpu.VMEM((_CHUNK, _DIM), jnp.float32),
            pltpu.VMEM((_BATCH, _DIM), jnp.float32),
            pltpu.VMEM((1, _DIM), jnp.float32),
            pltpu.SemaphoreType.DMA((_NCHUNK,)),
            pltpu.SemaphoreType.DMA,
            pltpu.SemaphoreType.DMA,
        ],
    )(write_pointer, is_full, state)

    mem_ref = jax.new_ref(filled)
    _sc_scatter(mem_ref, mean_row, write_pointer)
    new_memory = mem_ref[...]
    return new_memory, new_pointer, new_is_full

# --- scband reference (transcript-rebuilt; emitter-appended) ---
"""Pipeline reference for scband-saramemory-22978075033733 (READ-ONLY COPY).

The authoritative reference and input builder live on the scoring server;
editing this copy changes nothing except your own understanding.
"""

import jax, jax.numpy as jnp
import numpy as np

CAPACITY = 100000
STATE_DIM = 128
BATCH = 4096

def setup_inputs(seed: int = 0) -> dict:
    key = jax.random.key(seed)
    k1 = jax.random.fold_in(key, 1)
    state = jax.random.normal(k1, (BATCH, STATE_DIM), dtype=jnp.float32)
    memory_states = jnp.zeros((CAPACITY, STATE_DIM), dtype=jnp.float32)
    write_pointer = jnp.zeros((1,), dtype=jnp.int32)
    is_full = jnp.zeros((1,), dtype=jnp.bool_)
    return {"state": state, "memory_states": memory_states, "write_pointer": write_pointer, "is_full": is_full}

def reference(state, memory_states, write_pointer, is_full):
    # Faithful translation of SARAMemory.store(state, value=1.0)
    # torch: if state.dim() > 1: state = state.mean(dim=0)
    if state.ndim > 1:
        state = state.mean(axis=0)
    idx = write_pointer[0]
    # torch: self.memory_states[idx] = state.detach()  -> scatter-overwrite, detached
    new_memory = memory_states.at[idx].set(jax.lax.stop_gradient(state))
    # torch: self.write_pointer.fill_((idx + 1) % self.capacity)
    new_pointer = write_pointer.at[0].set((idx + 1) % CAPACITY)
    # torch: if idx + 1 == self.capacity: self.is_full.fill_(True)
    new_is_full = jnp.where(idx + 1 == CAPACITY, jnp.ones_like(is_full), is_full)
    return new_memory, new_pointer, new_is_full

if __name__ == "__main__":
    import jax
    _d = setup_inputs()
    print(jax.jit(kernel)(*tuple(_d.values())))

</pallas_src>

<mosaic_0001>
#map = affine_map<(d0, d1) -> (0, 0)>
#map1 = affine_map<(d0, d1) -> (0)>
module attributes {stable_mosaic.version = 14 : i64} {
  func.func @new_body(%arg0: i32, %arg1: i32, %arg2: memref<100000x128xf32, #tpu.memory_space<hbm>>, %arg3: memref<1x128xf32, #tpu.memory_space<hbm>>, %arg4: memref<1xi32, #tpu.memory_space<hbm>>, %arg5: memref<100000x128xf32, #tpu.memory_space<hbm>>, %arg6: memref<1xi32, #tpu.memory_space<vmem>>, %arg7: memref<1x128xf32, #tpu.memory_space<vmem>>, %arg8: memref<!tpu.dma_semaphore, #tpu.memory_space<semaphore_mem>>) attributes {dimension_semantics = [#tpu.dimension_semantics<core_parallel>, #tpu.dimension_semantics<subcore_parallel>], iteration_bounds = array<i64: 2, 16>, scalar_prefetch = 0 : i64, scratch_operands = 3 : i64, tpu.core_type = #tpu.core_type<sc_vector_subcore>, window_params = [{transform_indices = #map}, {transform_indices = #map}, {transform_indices = #map1}, {transform_indices = #map}]} {
    %eq3A = arith.constant 0 : i32
    %eq3A_0 = arith.cmpi eq, %arg0, %eq3A : i32
    %eq3A_1 = arith.constant 0 : i32
    %eq3A_2 = arith.cmpi eq, %arg1, %eq3A_1 : i32
    %and3A = arith.andi %eq3A_0, %eq3A_2 : i1
    %convert_element_type3A = arith.extui %and3A : i1 to i32
    %cond3A = arith.constant 0 : i32
    %cond3A_3 = arith.cmpi ne, %convert_element_type3A, %cond3A : i32
    scf.if %cond3A_3 {
      "tpu.region"() ({
        %run_scoped3A = tpu.sem_alloc : memref<!tpu.dma_semaphore, #tpu.memory_space<semaphore_mem>>
        tpu.enqueue_dma source(%arg4 : memref<1xi32, #tpu.memory_space<hbm>>) target(%arg6 : memref<1xi32, #tpu.memory_space<vmem>>) target_semaphore(%run_scoped3A : memref<!tpu.dma_semaphore, #tpu.memory_space<semaphore_mem>>)
        tpu.wait_dma2 semaphore(%run_scoped3A : memref<!tpu.dma_semaphore, #tpu.memory_space<semaphore_mem>>) src(%arg4 : memref<1xi32, #tpu.memory_space<hbm>>) dst(%arg6 : memref<1xi32, #tpu.memory_space<vmem>>)
        tpu.yield
      }) : () -> ()
      "tpu.region"() ({
        %run_scoped3A = tpu.sem_alloc : memref<!tpu.dma_semaphore, #tpu.memory_space<semaphore_mem>>
        tpu.enqueue_dma source(%arg3 : memref<1x128xf32, #tpu.memory_space<hbm>>) target(%arg7 : memref<1x128xf32, #tpu.memory_space<vmem>>) target_semaphore(%run_scoped3A : memref<!tpu.dma_semaphore, #tpu.memory_space<semaphore_mem>>)
        tpu.wait_dma2 semaphore(%run_scoped3A : memref<!tpu.dma_semaphore, #tpu.memory_space<semaphore_mem>>) src(%arg3 : memref<1x128xf32, #tpu.memory_space<hbm>>) dst(%arg7 : memref<1x128xf32, #tpu.memory_space<vmem>>)
        tpu.yield
      }) : () -> ()
      %dma_start3A = arith.constant 0 : i32
      %dma_start3A_4 = arith.constant 0 : i32
      %dma_start3A_5 = tpu.memref_slice %arg2[%dma_start3A, %dma_start3A_4] : memref<100000x128xf32, #tpu.memory_space<hbm>> -> memref<100000x128xf32, #tpu.memory_space<hbm>>
      tpu.enqueue_indirect_dma source(%arg7 : memref<1x128xf32, #tpu.memory_space<vmem>>) target(%dma_start3A_5 : memref<100000x128xf32, #tpu.memory_space<hbm>>) offsets(%arg6 : memref<1xi32, #tpu.memory_space<vmem>>) semaphore(%arg8 : memref<!tpu.dma_semaphore, #tpu.memory_space<semaphore_mem>>)
      %dma_wait3A = arith.constant 0 : i32
      %dma_wait3A_6 = arith.constant 0 : i32
      %dma_wait3A_7 = tpu.memref_slice %arg2[%dma_wait3A, %dma_wait3A_6] : memref<100000x128xf32, #tpu.memory_space<hbm>> -> memref<100000x128xf32, #tpu.memory_space<hbm>>
      tpu.wait_indirect_dma semaphore(%arg8 : memref<!tpu.dma_semaphore, #tpu.memory_space<semaphore_mem>>) src(%arg7 : memref<1x128xf32, #tpu.memory_space<vmem>>) dst(%dma_wait3A_7 : memref<100000x128xf32, #tpu.memory_space<hbm>>)
    } else {
    }
    return
  }
}

module attributes {stable_mosaic.version = 14 : i64} {
  func.func @_fill_body(%arg0: memref<1xi32, #tpu.memory_space<smem>>, %arg1: memref<1xi32, #tpu.memory_space<smem>>, %arg2: memref<4096x128xf32, #tpu.memory_space<any>>, %arg3: memref<100000x128xf32, #tpu.memory_space<any>>, %arg4: memref<1x128xf32, #tpu.memory_space<any>>, %arg5: memref<1xi32, #tpu.memory_space<smem>>, %arg6: memref<1xi32, #tpu.memory_space<smem>>, %arg7: memref<5000x128xf32, #tpu.memory_space<vmem>>, %arg8: memref<4096x128xf32, #tpu.memory_space<vmem>>, %arg9: memref<1x128xf32, #tpu.memory_space<vmem>>, %arg10: memref<20x!tpu.dma_semaphore, #tpu.memory_space<semaphore_mem>>, %arg11: memref<!tpu.dma_semaphore, #tpu.memory_space<semaphore_mem>>, %arg12: memref<!tpu.dma_semaphore, #tpu.memory_space<semaphore_mem>>) attributes {dimension_semantics = [], scalar_prefetch = 0 : i64, scratch_operands = 6 : i64, tpu.core_type = #tpu.core_type<tc>} {
    tpu.enqueue_dma source(%arg2 : memref<4096x128xf32, #tpu.memory_space<any>>) target(%arg8 : memref<4096x128xf32, #tpu.memory_space<vmem>>) target_semaphore(%arg11 : memref<!tpu.dma_semaphore, #tpu.memory_space<semaphore_mem>>)
    %get3A = arith.constant 0 : index
    %get3A_0 = memref.load %arg0[%get3A] : memref<1xi32, #tpu.memory_space<smem>>
    %add3A = arith.constant 1 : i32
    %add3A_1 = arith.addi %get3A_0, %add3A : i32
    %rem3A = arith.constant 100000 : i32
    %rem3A_2 = arith.remsi %add3A_1, %rem3A : i32
    %swap3A = arith.constant 0 : index
    %swap3A_3 = memref.load %arg5[%swap3A] : memref<1xi32, #tpu.memory_space<smem>>
    memref.store %rem3A_2, %arg5[%swap3A] : memref<1xi32, #tpu.memory_space<smem>>
    %get3A_4 = arith.constant 0 : index
    %get3A_5 = memref.load %arg1[%get3A_4] : memref<1xi32, #tpu.memory_space<smem>>
    %get3A_6 = arith.constant 0 : i32
    %get3A_7 = arith.cmpi ne, %get3A_5, %get3A_6 : i32
    %eq3A = arith.constant 100000 : i32
    %eq3A_8 = arith.cmpi eq, %add3A_1, %eq3A : i32
    %or3A = arith.ori %get3A_7, %eq3A_8 : i1
    %swap3A_9 = arith.constant 0 : index
    %swap3A_10 = memref.load %arg6[%swap3A_9] : memref<1xi32, #tpu.memory_space<smem>>
    %swap3A_11 = arith.constant 0 : i32
    %swap3A_12 = arith.cmpi ne, %swap3A_10, %swap3A_11 : i32
    %swap3A_13 = arith.extui %or3A : i1 to i32
    memref.store %swap3A_13, %arg6[%swap3A_9] : memref<1xi32, #tpu.memory_space<smem>>
    %broadcast_in_dim3A = arith.constant 0.000000e+00 : f32
    %broadcast_in_dim3A_14 = vector.broadcast %broadcast_in_dim3A : f32 to vector<5000x128xf32>
    %swap3A_15 = arith.constant 0 : index
    %swap3A_16 = arith.constant 0 : index
    %swap3A_17 = vector.load %arg7[%swap3A_15, %swap3A_16] : memref<5000x128xf32, #tpu.memory_space<vmem>>, vector<5000x128xf32>
    tpu.vector_store %arg7[%swap3A_15, %swap3A_16], %broadcast_in_dim3A_14 {strides = array<i32>} : memref<5000x128xf32, #tpu.memory_space<vmem>>, vector<5000x128xf32>,
    %dma_start3A = arith.constant 0 : i32
    %dma_start3A_18 = tpu.memref_slice %arg10[%dma_start3A] : memref<20x!tpu.dma_semaphore, #tpu.memory_space<semaphore_mem>> -> memref<1x!tpu.dma_semaphore, #tpu.memory_space<semaphore_mem>>
    %dma_start3A_19 = tpu.memref_squeeze %dma_start3A_18 : memref<1x!tpu.dma_semaphore, #tpu.memory_space<semaphore_mem>> -> memref<!tpu.dma_semaphore, #tpu.memory_space<semaphore_mem>>
    %dma_start3A_20 = arith.constant 0 : i32
    %dma_start3A_21 = arith.constant 0 : i32
    %dma_start3A_22 = tpu.memref_slice %arg3[%dma_start3A_20, %dma_start3A_21] : memref<100000x128xf32, #tpu.memory_space<any>> -> memref<5000x128xf32, #tpu.memory_space<any>>
    tpu.enqueue_dma source(%arg7 : memref<5000x128xf32, #tpu.memory_space<vmem>>) target(%dma_start3A_22 : memref<5000x128xf32, #tpu.memory_space<any>>) target_semaphore(%dma_start3A_19 : memref<!tpu.dma_semaphore, #tpu.memory_space<semaphore_mem>>)
    %dma_start3A_23 = arith.constant 1 : i32
    %dma_start3A_24 = tpu.memref_slice %arg10[%dma_start3A_23] : memref<20x!tpu.dma_semaphore, #tpu.memory_space<semaphore_mem>> -> memref<1x!tpu.dma_semaphore, #tpu.memory_space<semaphore_mem>>
    %dma_start3A_25 = tpu.memref_squeeze %dma_start3A_24 : memref<1x!tpu.dma_semaphore, #tpu.memory_space<semaphore_mem>> -> memref<!tpu.dma_semaphore, #tpu.memory_space<semaphore_mem>>
    %dma_start3A_26 = arith.constant 5000 : i32
    %dma_start3A_27 = arith.constant 0 : i32
    %dma_start3A_28 = tpu.memref_slice %arg3[%dma_start3A_26, %dma_start3A_27] : memref<100000x128xf32, #tpu.memory_space<any>> -> memref<5000x128xf32, #tpu.memory_space<any>>
    tpu.enqueue_dma source(%arg7 : memref<5000x128xf32, #tpu.memory_space<vmem>>) target(%dma_start3A_28 : memref<5000x128xf32, #tpu.memory_space<any>>) target_semaphore(%dma_start3A_25 : memref<!tpu.dma_semaphore, #tpu.memory_space<semaphore_mem>>)
    %dma_start3A_29 = arith.constant 2 : i32
    %dma_start3A_30 = tpu.memref_slice %arg10[%dma_start3A_29] : memref<20x!tpu.dma_semaphore, #tpu.memory_space<semaphore_mem>> -> memref<1x!tpu.dma_semaphore, #tpu.memory_space<semaphore_mem>>
    %dma_start3A_31 = tpu.memref_squeeze %dma_start3A_30 : memref<1x!tpu.dma_semaphore, #tpu.memory_space<semaphore_mem>> -> memref<!tpu.dma_semaphore, #tpu.memory_space<semaphore_mem>>
    %dma_start3A_32 = arith.constant 10000 : i32
    %dma_start3A_33 = arith.constant 0 : i32
    %dma_start3A_34 = tpu.memref_slice %arg3[%dma_start3A_32, %dma_start3A_33] : memref<100000x128xf32, #tpu.memory_space<any>> -> memref<5000x128xf32, #tpu.memory_space<any>>
    tpu.enqueue_dma source(%arg7 : memref<5000x128xf32, #tpu.memory_space<vmem>>) target(%dma_start3A_34 : memref<5000x128xf32, #tpu.memory_space<any>>) target_semaphore(%dma_start3A_31 : memref<!tpu.dma_semaphore, #tpu.memory_space<semaphore_mem>>)
    %dma_start3A_35 = arith.constant 3 : i32
    %dma_start3A_36 = tpu.memref_slice %arg10[%dma_start3A_35] : memref<20x!tpu.dma_semaphore, #tpu.memory_space<semaphore_mem>> -> memref<1x!tpu.dma_semaphore, #tpu.memory_space<semaphore_mem>>
    %dma_start3A_37 = tpu.memref_squeeze %dma_start3A_36 : memref<1x!tpu.dma_semaphore, #tpu.memory_space<semaphore_mem>> -> memref<!tpu.dma_semaphore, #tpu.memory_space<semaphore_mem>>
    %dma_start3A_38 = arith.constant 15000 : i32
    %dma_start3A_39 = arith.constant 0 : i32
    %dma_start3A_40 = tpu.memref_slice %arg3[%dma_start3A_38, %dma_start3A_39] : memref<100000x128xf32, #tpu.memory_space<any>> -> memref<5000x128xf32, #tpu.memory_space<any>>
    tpu.enqueue_dma source(%arg7 : memref<5000x128xf32, #tpu.memory_space<vmem>>) target(%dma_start3A_40 : memref<5000x128xf32, #tpu.memory_space<any>>) target_semaphore(%dma_start3A_37 : memref<!tpu.dma_semaphore, #tpu.memory_space<semaphore_mem>>)
    %dma_start3A_41 = arith.constant 4 : i32
    %dma_start3A_42 = tpu.memref_slice %arg10[%dma_start3A_41] : memref<20x!tpu.dma_semaphore, #tpu.memory_space<semaphore_mem>> -> memref<1x!tpu.dma_semaphore, #tpu.memory_space<semaphore_mem>>
    %dma_start3A_43 = tpu.memref_squeeze %dma_start3A_42 : memref<1x!tpu.dma_semaphore, #tpu.memory_space<semaphore_mem>> -> memref<!tpu.dma_semaphore, #tpu.memory_space<semaphore_mem>>
    %dma_start3A_44 = arith.constant 20000 : i32
    %dma_start3A_45 = arith.constant 0 : i32
    %dma_start3A_46 = tpu.memref_slice %arg3[%dma_start3A_44, %dma_start3A_45] : memref<100000x128xf32, #tpu.memory_space<any>> -> memref<5000x128xf32, #tpu.memory_space<any>>
    tpu.enqueue_dma source(%arg7 : memref<5000x128xf32, #tpu.memory_space<vmem>>) target(%dma_start3A_46 : memref<5000x128xf32, #tpu.memory_space<any>>) target_semaphore(%dma_start3A_43 : memref<!tpu.dma_semaphore, #tpu.memory_space<semaphore_mem>>)
    %dma_start3A_47 = arith.constant 5 : i32
    %dma_start3A_48 = tpu.memref_slice %arg10[%dma_start3A_47] : memref<20x!tpu.dma_semaphore, #tpu.memory_space<semaphore_mem>> -> memref<1x!tpu.dma_semaphore, #tpu.memory_space<semaphore_mem>>
    %dma_start3A_49 = tpu.memref_squeeze %dma_start3A_48 : memref<1x!tpu.dma_semaphore, #tpu.memory_space<semaphore_mem>> -> memref<!tpu.dma_semaphore, #tpu.memory_space<semaphore_mem>>
    %dma_start3A_50 = arith.constant 25000 : i32
    %dma_start3A_51 = arith.constant 0 : i32
    %dma_start3A_52 = tpu.memref_slice %arg3[%dma_start3A_50, %dma_start3A_51] : memref<100000x128xf32, #tpu.memory_space<any>> -> memref<5000x128xf32, #tpu.memory_space<any>>
    tpu.enqueue_dma source(%arg7 : memref<5000x128xf32, #tpu.memory_space<vmem>>) target(%dma_start3A_52 : memref<5000x128xf32, #tpu.memory_space<any>>) target_semaphore(%dma_start3A_49 : memref<!tpu.dma_semaphore, #tpu.memory_space<semaphore_mem>>)
    %dma_start3A_53 = arith.constant 6 : i32
    %dma_start3A_54 = tpu.memref_slice %arg10[%dma_start3A_53] : memref<20x!tpu.dma_semaphore, #tpu.memory_space<semaphore_mem>> -> memref<1x!tpu.dma_semaphore, #tpu.memory_space<semaphore_mem>>
    %dma_start3A_55 = tpu.memref_squeeze %dma_start3A_54 : memref<1x!tpu.dma_semaphore, #tpu.memory_space<semaphore_mem>> -> memref<!tpu.dma_semaphore, #tpu.memory_space<semaphore_mem>>
    %dma_start3A_56 = arith.constant 30000 : i32
    %dma_start3A_57 = arith.constant 0 : i32
    %dma_start3A_58 = tpu.memref_slice %arg3[%dma_start3A_56, %dma_start3A_57] : memref<100000x128xf32, #tpu.memory_space<any>> -> memref<5000x128xf32, #tpu.memory_space<any>>
    tpu.enqueue_dma source(%arg7 : memref<5000x128xf32, #tpu.memory_space<vmem>>) target(%dma_start3A_58 : memref<5000x128xf32, #tpu.memory_space<any>>) target_semaphore(%dma_start3A_55 : memref<!tpu.dma_semaphore, #tpu.memory_space<semaphore_mem>>)
    %dma_start3A_59 = arith.constant 7 : i32
    %dma_start3A_60 = tpu.memref_slice %arg10[%dma_start3A_59] : memref<20x!tpu.dma_semaphore, #tpu.memory_space<semaphore_mem>> -> memref<1x!tpu.dma_semaphore, #tpu.memory_space<semaphore_mem>>
    %dma_start3A_61 = tpu.memref_squeeze %dma_start3A_60 : memref<1x!tpu.dma_semaphore, #tpu.memory_space<semaphore_mem>> -> memref<!tpu.dma_semaphore, #tpu.memory_space<semaphore_mem>>
    %dma_start3A_62 = arith.constant 35000 : i32
    %dma_start3A_63 = arith.constant 0 : i32
    %dma_start3A_64 = tpu.memref_slice %arg3[%dma_start3A_62, %dma_start3A_63] : memref<100000x128xf32, #tpu.memory_space<any>> -> memref<5000x128xf32, #tpu.memory_space<any>>
    tpu.enqueue_dma source(%arg7 : memref<5000x128xf32, #tpu.memory_space<vmem>>) target(%dma_start3A_64 : memref<5000x128xf32, #tpu.memory_space<any>>) target_semaphore(%dma_start3A_61 : memref<!tpu.dma_semaphore, #tpu.memory_space<semaphore_mem>>)
    %dma_start3A_65 = arith.constant 8 : i32
    %dma_start3A_66 = tpu.memref_slice %arg10[%dma_start3A_65] : memref<20x!tpu.dma_semaphore, #tpu.memory_space<semaphore_mem>> -> memref<1x!tpu.dma_semaphore, #tpu.memory_space<semaphore_mem>>
    %dma_start3A_67 = tpu.memref_squeeze %dma_start3A_66 : memref<1x!tpu.dma_semaphore, #tpu.memory_space<semaphore_mem>> -> memref<!tpu.dma_semaphore, #tpu.memory_space<semaphore_mem>>
    %dma_start3A_68 = arith.constant 40000 : i32
    %dma_start3A_69 = arith.constant 0 : i32
    %dma_start3A_70 = tpu.memref_slice %arg3[%dma_start3A_68, %dma_start3A_69] : memref<100000x128xf32, #tpu.memory_space<any>> -> memref<5000x128xf32, #tpu.memory_space<any>>
    tpu.enqueue_dma source(%arg7 : memref<5000x128xf32, #tpu.memory_space<vmem>>) target(%dma_start3A_70 : memref<5000x128xf32, #tpu.memory_space<any>>) target_semaphore(%dma_start3A_67 : memref<!tpu.dma_semaphore, #tpu.memory_space<semaphore_mem>>)
    %dma_start3A_71 = arith.constant 9 : i32
    %dma_start3A_72 = tpu.memref_slice %arg10[%dma_start3A_71] : memref<20x!tpu.dma_semaphore, #tpu.memory_space<semaphore_mem>> -> memref<1x!tpu.dma_semaphore, #tpu.memory_space<semaphore_mem>>
    %dma_start3A_73 = tpu.memref_squeeze %dma_start3A_72 : memref<1x!tpu.dma_semaphore, #tpu.memory_space<semaphore_mem>> -> memref<!tpu.dma_semaphore, #tpu.memory_space<semaphore_mem>>
    %dma_start3A_74 = arith.constant 45000 : i32
    %dma_start3A_75 = arith.constant 0 : i32
    %dma_start3A_76 = tpu.memref_slice %arg3[%dma_start3A_74, %dma_start3A_75] : memref<100000x128xf32, #tpu.memory_space<any>> -> memref<5000x128xf32, #tpu.memory_space<any>>
    tpu.enqueue_dma source(%arg7 : memref<5000x128xf32, #tpu.memory_space<vmem>>) target(%dma_start3A_76 : memref<5000x128xf32, #tpu.memory_space<any>>) target_semaphore(%dma_start3A_73 : memref<!tpu.dma_semaphore, #tpu.memory_space<semaphore_mem>>)
    %dma_start3A_77 = arith.constant 10 : i32
    %dma_start3A_78 = tpu.memref_slice %arg10[%dma_start3A_77] : memref<20x!tpu.dma_semaphore, #tpu.memory_space<semaphore_mem>> -> memref<1x!tpu.dma_semaphore, #tpu.memory_space<semaphore_mem>>
    %dma_start3A_79 = tpu.memref_squeeze %dma_start3A_78 : memref<1x!tpu.dma_semaphore, #tpu.memory_space<semaphore_mem>> -> memref<!tpu.dma_semaphore, #tpu.memory_space<semaphore_mem>>
    %dma_start3A_80 = arith.constant 50000 : i32
    %dma_start3A_81 = arith.constant 0 : i32
    %dma_start3A_82 = tpu.memref_slice %arg3[%dma_start3A_80, %dma_start3A_81] : memref<100000x128xf32, #tpu.memory_space<any>> -> memref<5000x128xf32, #tpu.memory_space<any>>
    tpu.enqueue_dma source(%arg7 : memref<5000x128xf32, #tpu.memory_space<vmem>>) target(%dma_start3A_82 : memref<5000x128xf32, #tpu.memory_space<any>>) target_semaphore(%dma_start3A_79 : memref<!tpu.dma_semaphore, #tpu.memory_space<semaphore_mem>>)
    %dma_start3A_83 = arith.constant 11 : i32
    %dma_start3A_84 = tpu.memref_slice %arg10[%dma_start3A_83] : memref<20x!tpu.dma_semaphore, #tpu.memory_space<semaphore_mem>> -> memref<1x!tpu.dma_semaphore, #tpu.memory_space<semaphore_mem>>
    %dma_start3A_85 = tpu.memref_squeeze %dma_start3A_84 : memref<1x!tpu.dma_semaphore, #tpu.memory_space<semaphore_mem>> -> memref<!tpu.dma_semaphore, #tpu.memory_space<semaphore_mem>>
    %dma_start3A_86 = arith.constant 55000 : i32
    %dma_start3A_87 = arith.constant 0 : i32
    %dma_start3A_88 = tpu.memref_slice %arg3[%dma_start3A_86, %dma_start3A_87] : memref<100000x128xf32, #tpu.memory_space<any>> -> memref<5000x128xf32, #tpu.memory_space<any>>
    tpu.enqueue_dma source(%arg7 : memref<5000x128xf32, #tpu.memory_space<vmem>>) target(%dma_start3A_88 : memref<5000x128xf32, #tpu.memory_space<any>>) target_semaphore(%dma_start3A_85 : memref<!tpu.dma_semaphore, #tpu.memory_space<semaphore_mem>>)
    %dma_start3A_89 = arith.constant 12 : i32
    %dma_start3A_90 = tpu.memref_slice %arg10[%dma_start3A_89] : memref<20x!tpu.dma_semaphore, #tpu.memory_space<semaphore_mem>> -> memref<1x!tpu.dma_semaphore, #tpu.memory_space<semaphore_mem>>
    %dma_start3A_91 = tpu.memref_squeeze %dma_start3A_90 : memref<1x!tpu.dma_semaphore, #tpu.memory_space<semaphore_mem>> -> memref<!tpu.dma_semaphore, #tpu.memory_space<semaphore_mem>>
    %dma_start3A_92 = arith.constant 60000 : i32
    %dma_start3A_93 = arith.constant 0 : i32
    %dma_start3A_94 = tpu.memref_slice %arg3[%dma_start3A_92, %dma_start3A_93] : memref<100000x128xf32, #tpu.memory_space<any>> -> memref<5000x128xf32, #tpu.memory_space<any>>
    tpu.enqueue_dma source(%arg7 : memref<5000x128xf32, #tpu.memory_space<vmem>>) target(%dma_start3A_94 : memref<5000x128xf32, #tpu.memory_space<any>>) target_semaphore(%dma_start3A_91 : memref<!tpu.dma_semaphore, #tpu.memory_space<semaphore_mem>>)
    %dma_start3A_95 = arith.constant 13 : i32
    %dma_start3A_96 = tpu.memref_slice %arg10[%dma_start3A_95] : memref<20x!tpu.dma_semaphore, #tpu.memory_space<semaphore_mem>> -> memref<1x!tpu.dma_semaphore, #tpu.memory_space<semaphore_mem>>
    %dma_start3A_97 = tpu.memref_squeeze %dma_start3A_96 : memref<1x!tpu.dma_semaphore, #tpu.memory_space<semaphore_mem>> -> memref<!tpu.dma_semaphore, #tpu.memory_space<semaphore_mem>>
    %dma_start3A_98 = arith.constant 65000 : i32
    %dma_start3A_99 = arith.constant 0 : i32
    %dma_start3A_100 = tpu.memref_slice %arg3[%dma_start3A_98, %dma_start3A_99] : memref<100000x128xf32, #tpu.memory_space<any>> -> memref<5000x128xf32, #tpu.memory_space<any>>
    tpu.enqueue_dma source(%arg7 : memref<5000x128xf32, #tpu.memory_space<vmem>>) target(%dma_start3A_100 : memref<5000x128xf32, #tpu.memory_space<any>>) target_semaphore(%dma_start3A_97 : memref<!tpu.dma_semaphore, #tpu.memory_space<semaphore_mem>>)
    %dma_start3A_101 = arith.constant 14 : i32
    %dma_start3A_102 = tpu.memref_slice %arg10[%dma_start3A_101] : memref<20x!tpu.dma_semaphore, #tpu.memory_space<semaphore_mem>> -> memref<1x!tpu.dma_semaphore, #tpu.memory_space<semaphore_mem>>
    %dma_start3A_103 = tpu.memref_squeeze %dma_start3A_102 : memref<1x!tpu.dma_semaphore, #tpu.memory_space<semaphore_mem>> -> memref<!tpu.dma_semaphore, #tpu.memory_space<semaphore_mem>>
    %dma_start3A_104 = arith.constant 70000 : i32
    %dma_start3A_105 = arith.constant 0 : i32
    %dma_start3A_106 = tpu.memref_slice %arg3[%dma_start3A_104, %dma_start3A_105] : memref<100000x128xf32, #tpu.memory_space<any>> -> memref<5000x128xf32, #tpu.memory_space<any>>
    tpu.enqueue_dma source(%arg7 : memref<5000x128xf32, #tpu.memory_space<vmem>>) target(%dma_start3A_106 : memref<5000x128xf32, #tpu.memory_space<any>>) target_semaphore(%dma_start3A_103 : memref<!tpu.dma_semaphore, #tpu.memory_space<semaphore_mem>>)
    %dma_start3A_107 = arith.constant 15 : i32
    %dma_start3A_108 = tpu.memref_slice %arg10[%dma_start3A_107] : memref<20x!tpu.dma_semaphore, #tpu.memory_space<semaphore_mem>> -> memref<1x!tpu.dma_semaphore, #tpu.memory_space<semaphore_mem>>
    %dma_start3A_109 = tpu.memref_squeeze %dma_start3A_108 : memref<1x!tpu.dma_semaphore, #tpu.memory_space<semaphore_mem>> -> memref<!tpu.dma_semaphore, #tpu.memory_space<semaphore_mem>>
    %dma_start3A_110 = arith.constant 75000 : i32
    %dma_start3A_111 = arith.constant 0 : i32
    %dma_start3A_112 = tpu.memref_slice %arg3[%dma_start3A_110, %dma_start3A_111] : memref<100000x128xf32, #tpu.memory_space<any>> -> memref<5000x128xf32, #tpu.memory_space<any>>
    tpu.enqueue_dma source(%arg7 : memref<5000x128xf32, #tpu.memory_space<vmem>>) target(%dma_start3A_112 : memref<5000x128xf32, #tpu.memory_space<any>>) target_semaphore(%dma_start3A_109 : memref<!tpu.dma_semaphore, #tpu.memory_space<semaphore_mem>>)
    %dma_start3A_113 = arith.constant 16 : i32
    %dma_start3A_114 = tpu.memref_slice %arg10[%dma_start3A_113] : memref<20x!tpu.dma_semaphore, #tpu.memory_space<semaphore_mem>> -> memref<1x!tpu.dma_semaphore, #tpu.memory_space<semaphore_mem>>
    %dma_start3A_115 = tpu.memref_squeeze %dma_start3A_114 : memref<1x!tpu.dma_semaphore, #tpu.memory_space<semaphore_mem>> -> memref<!tpu.dma_semaphore, #tpu.memory_space<semaphore_mem>>
    %dma_start3A_116 = arith.constant 80000 : i32
    %dma_start3A_117 = arith.constant 0 : i32
    %dma_start3A_118 = tpu.memref_slice %arg3[%dma_start3A_116, %dma_start3A_117] : memref<100000x128xf32, #tpu.memory_space<any>> -> memref<5000x128xf32, #tpu.memory_space<any>>
    tpu.enqueue_dma source(%arg7 : memref<5000x128xf32, #tpu.memory_space<vmem>>) target(%dma_start3A_118 : memref<5000x128xf32, #tpu.memory_space<any>>) target_semaphore(%dma_start3A_115 : memref<!tpu.dma_semaphore, #tpu.memory_space<semaphore_mem>>)
    %dma_start3A_119 = arith.constant 17 : i32
    %dma_start3A_120 = tpu.memref_slice %arg10[%dma_start3A_119] : memref<20x!tpu.dma_semaphore, #tpu.memory_space<semaphore_mem>> -> memref<1x!tpu.dma_semaphore, #tpu.memory_space<semaphore_mem>>
    %dma_start3A_121 = tpu.memref_squeeze %dma_start3A_120 : memref<1x!tpu.dma_semaphore, #tpu.memory_space<semaphore_mem>> -> memref<!tpu.dma_semaphore, #tpu.memory_space<semaphore_mem>>
    %dma_start3A_122 = arith.constant 85000 : i32
    %dma_start3A_123 = arith.constant 0 : i32
    %dma_start3A_124 = tpu.memref_slice %arg3[%dma_start3A_122, %dma_start3A_123] : memref<100000x128xf32, #tpu.memory_space<any>> -> memref<5000x128xf32, #tpu.memory_space<any>>
    tpu.enqueue_dma source(%arg7 : memref<5000x128xf32, #tpu.memory_space<vmem>>) target(%dma_start3A_124 : memref<5000x128xf32, #tpu.memory_space<any>>) target_semaphore(%dma_start3A_121 : memref<!tpu.dma_semaphore, #tpu.memory_space<semaphore_mem>>)
    %dma_start3A_125 = arith.constant 18 : i32
    %dma_start3A_126 = tpu.memref_slice %arg10[%dma_start3A_125] : memref<20x!tpu.dma_semaphore, #tpu.memory_space<semaphore_mem>> -> memref<1x!tpu.dma_semaphore, #tpu.memory_space<semaphore_mem>>
    %dma_start3A_127 = tpu.memref_squeeze %dma_start3A_126 : memref<1x!tpu.dma_semaphore, #tpu.memory_space<semaphore_mem>> -> memref<!tpu.dma_semaphore, #tpu.memory_space<semaphore_mem>>
    %dma_start3A_128 = arith.constant 90000 : i32
    %dma_start3A_129 = arith.constant 0 : i32
    %dma_start3A_130 = tpu.memref_slice %arg3[%dma_start3A_128, %dma_start3A_129] : memref<100000x128xf32, #tpu.memory_space<any>> -> memref<5000x128xf32, #tpu.memory_space<any>>
    tpu.enqueue_dma source(%arg7 : memref<5000x128xf32, #tpu.memory_space<vmem>>) target(%dma_start3A_130 : memref<5000x128xf32, #tpu.memory_space<any>>) target_semaphore(%dma_start3A_127 : memref<!tpu.dma_semaphore, #tpu.memory_space<semaphore_mem>>)
    %dma_start3A_131 = arith.constant 19 : i32
    %dma_start3A_132 = tpu.memref_slice %arg10[%dma_start3A_131] : memref<20x!tpu.dma_semaphore, #tpu.memory_space<semaphore_mem>> -> memref<1x!tpu.dma_semaphore, #tpu.memory_space<semaphore_mem>>
    %dma_start3A_133 = tpu.memref_squeeze %dma_start3A_132 : memref<1x!tpu.dma_semaphore, #tpu.memory_space<semaphore_mem>> -> memref<!tpu.dma_semaphore, #tpu.memory_space<semaphore_mem>>
    %dma_start3A_134 = arith.constant 95000 : i32
    %dma_start3A_135 = arith.constant 0 : i32
    %dma_start3A_136 = tpu.memref_slice %arg3[%dma_start3A_134, %dma_start3A_135] : memref<100000x128xf32, #tpu.memory_space<any>> -> memref<5000x128xf32, #tpu.memory_space<any>>
    tpu.enqueue_dma source(%arg7 : memref<5000x128xf32, #tpu.memory_space<vmem>>) target(%dma_start3A_136 : memref<5000x128xf32, #tpu.memory_space<any>>) target_semaphore(%dma_start3A_133 : memref<!tpu.dma_semaphore, #tpu.memory_space<semaphore_mem>>)
    tpu.wait_dma2 semaphore(%arg11 : memref<!tpu.dma_semaphore, #tpu.memory_space<semaphore_mem>>) src(%arg2 : memref<4096x128xf32, #tpu.memory_space<any>>) dst(%arg8 : memref<4096x128xf32, #tpu.memory_space<vmem>>)
    %get3A_137 = arith.constant 0 : index
    %get3A_138 = arith.constant 0 : index
    %get3A_139 = vector.load %arg8[%get3A_137, %get3A_138] : memref<4096x128xf32, #tpu.memory_space<vmem>>, vector<4096x128xf32>
    %reduce_sum3A = arith.constant dense<0.000000e+00> : vector<128xf32>
    %reduce_sum3A_140 = vector.multi_reduction <add>, %get3A_139, %reduce_sum3A [0] : vector<4096x128xf32> to vector<128xf32>
    %broadcast_in_dim3A_141 = vector.shape_cast %reduce_sum3A_140 : vector<128xf32> to vector<1x128xf32>
    %div3A = arith.constant 4.096000e+03 : f32
    %div3A_142 = vector.broadcast %div3A : f32 to vector<1x128xf32>
    %div3A_143 = arith.divf %broadcast_in_dim3A_141, %div3A_142 : vector<1x128xf32>
    %swap3A_144 = arith.constant 0 : index
    %swap3A_145 = arith.constant 0 : index
    %swap3A_146 = vector.load %arg9[%swap3A_144, %swap3A_145] : memref<1x128xf32, #tpu.memory_space<vmem>>, vector<1x128xf32>
    tpu.vector_store %arg9[%swap3A_144, %swap3A_145], %div3A_143 {strides = array<i32>} : memref<1x128xf32, #tpu.memory_space<vmem>>, vector<1x128xf32>,
    tpu.enqueue_dma source(%arg9 : memref<1x128xf32, #tpu.memory_space<vmem>>) target(%arg4 : memref<1x128xf32, #tpu.memory_space<any>>) target_semaphore(%arg12 : memref<!tpu.dma_semaphore, #tpu.memory_space<semaphore_mem>>)
    %dma_wait3A = arith.constant 0 : i32
    %dma_wait3A_147 = tpu.memref_slice %arg10[%dma_wait3A] : memref<20x!tpu.dma_semaphore, #tpu.memory_space<semaphore_mem>> -> memref<1x!tpu.dma_semaphore, #tpu.memory_space<semaphore_mem>>
    %dma_wait3A_148 = tpu.memref_squeeze %dma_wait3A_147 : memref<1x!tpu.dma_semaphore, #tpu.memory_space<semaphore_mem>> -> memref<!tpu.dma_semaphore, #tpu.memory_space<semaphore_mem>>
    %dma_wait3A_149 = arith.constant 0 : i32
    %dma_wait3A_150 = arith.constant 0 : i32
    %dma_wait3A_151 = tpu.memref_slice %arg3[%dma_wait3A_149, %dma_wait3A_150] : memref<100000x128xf32, #tpu.memory_space<any>> -> memref<5000x128xf32, #tpu.memory_space<any>>
    tpu.wait_dma2 semaphore(%dma_wait3A_148 : memref<!tpu.dma_semaphore, #tpu.memory_space<semaphore_mem>>) src(%arg7 : memref<5000x128xf32, #tpu.memory_space<vmem>>) dst(%dma_wait3A_151 : memref<5000x128xf32, #tpu.memory_space<any>>)
    %dma_wait3A_152 = arith.constant 1 : i32
    %dma_wait3A_153 = tpu.memref_slice %arg10[%dma_wait3A_152] : memref<20x!tpu.dma_semaphore, #tpu.memory_space<semaphore_mem>> -> memref<1x!tpu.dma_semaphore, #tpu.memory_space<semaphore_mem>>
    %dma_wait3A_154 = tpu.memref_squeeze %dma_wait3A_153 : memref<1x!tpu.dma_semaphore, #tpu.memory_space<semaphore_mem>> -> memref<!tpu.dma_semaphore, #tpu.memory_space<semaphore_mem>>
    %dma_wait3A_155 = arith.constant 5000 : i32
    %dma_wait3A_156 = arith.constant 0 : i32
    %dma_wait3A_157 = tpu.memref_slice %arg3[%dma_wait3A_155, %dma_wait3A_156] : memref<100000x128xf32, #tpu.memory_space<any>> -> memref<5000x128xf32, #tpu.memory_space<any>>
    tpu.wait_dma2 semaphore(%dma_wait3A_154 : memref<!tpu.dma_semaphore, #tpu.memory_space<semaphore_mem>>) src(%arg7 : memref<5000x128xf32, #tpu.memory_space<vmem>>) dst(%dma_wait3A_157 : memref<5000x128xf32, #tpu.memory_space<any>>)
    %dma_wait3A_158 = arith.constant 2 : i32
    %dma_wait3A_159 = tpu.memref_slice %arg10[%dma_wait3A_158] : memref<20x!tpu.dma_semaphore, #tpu.memory_space<semaphore_mem>> -> memref<1x!tpu.dma_semaphore, #tpu.memory_space<semaphore_mem>>
    %dma_wait3A_160 = tpu.memref_squeeze %dma_wait3A_159 : memref<1x!tpu.dma_semaphore, #tpu.memory_space<semaphore_mem>> -> memref<!tpu.dma_semaphore, #tpu.memory_space<semaphore_mem>>
    %dma_wait3A_161 = arith.constant 10000 : i32
    %dma_wait3A_162 = arith.constant 0 : i32
    %dma_wait3A_163 = tpu.memref_slice %arg3[%dma_wait3A_161, %dma_wait3A_162] : memref<100000x128xf32, #tpu.memory_space<any>> -> memref<5000x128xf32, #tpu.memory_space<any>>
    tpu.wait_dma2 semaphore(%dma_wait3A_160 : memref<!tpu.dma_semaphore, #tpu.memory_space<semaphore_mem>>) src(%arg7 : memref<5000x128xf32, #tpu.memory_space<vmem>>) dst(%dma_wait3A_163 : memref<5000x128xf32, #tpu.memory_space<any>>)
    %dma_wait3A_164 = arith.constant 3 : i32
    %dma_wait3A_165 = tpu.memref_slice %arg10[%dma_wait3A_164] : memref<20x!tpu.dma_semaphore, #tpu.memory_space<semaphore_mem>> -> memref<1x!tpu.dma_semaphore, #tpu.memory_space<semaphore_mem>>
    %dma_wait3A_166 = tpu.memref_squeeze %dma_wait3A_165 : memref<1x!tpu.dma_semaphore, #tpu.memory_space<semaphore_mem>> -> memref<!tpu.dma_semaphore, #tpu.memory_space<semaphore_mem>>
    %dma_wait3A_167 = arith.constant 15000 : i32
    %dma_wait3A_168 = arith.constant 0 : i32
    %dma_wait3A_169 = tpu.memref_slice %arg3[%dma_wait3A_167, %dma_wait3A_168] : memref<100000x128xf32, #tpu.memory_space<any>> -> memref<5000x128xf32, #tpu.memory_space<any>>
    tpu.wait_dma2 semaphore(%dma_wait3A_166 : memref<!tpu.dma_semaphore, #tpu.memory_space<semaphore_mem>>) src(%arg7 : memref<5000x128xf32, #tpu.memory_space<vmem>>) dst(%dma_wait3A_169 : memref<5000x128xf32, #tpu.memory_space<any>>)
    %dma_wait3A_170 = arith.constant 4 : i32
    %dma_wait3A_171 = tpu.memref_slice %arg10[%dma_wait3A_170] : memref<20x!tpu.dma_semaphore, #tpu.memory_space<semaphore_mem>> -> memref<1x!tpu.dma_semaphore, #tpu.memory_space<semaphore_mem>>
    %dma_wait3A_172 = tpu.memref_squeeze %dma_wait3A_171 : memref<1x!tpu.dma_semaphore, #tpu.memory_space<semaphore_mem>> -> memref<!tpu.dma_semaphore, #tpu.memory_space<semaphore_mem>>
    %dma_wait3A_173 = arith.constant 20000 : i32
    %dma_wait3A_174 = arith.constant 0 : i32
    %dma_wait3A_175 = tpu.memref_slice %arg3[%dma_wait3A_173, %dma_wait3A_174] : memref<100000x128xf32, #tpu.memory_space<any>> -> memref<5000x128xf32, #tpu.memory_space<any>>
    tpu.wait_dma2 semaphore(%dma_wait3A_172 : memref<!tpu.dma_semaphore, #tpu.memory_space<semaphore_mem>>) src(%arg7 : memref<5000x128xf32, #tpu.memory_space<vmem>>) dst(%dma_wait3A_175 : memref<5000x128xf32, #tpu.memory_space<any>>)
    %dma_wait3A_176 = arith.constant 5 : i32
    %dma_wait3A_177 = tpu.memref_slice %arg10[%dma_wait3A_176] : memref<20x!tpu.dma_semaphore, #tpu.memory_space<semaphore_mem>> -> memref<1x!tpu.dma_semaphore, #tpu.memory_space<semaphore_mem>>
    %dma_wait3A_178 = tpu.memref_squeeze %dma_wait3A_177 : memref<1x!tpu.dma_semaphore, #tpu.memory_space<semaphore_mem>> -> memref<!tpu.dma_semaphore, #tpu.memory_space<semaphore_mem>>
    %dma_wait3A_179 = arith.constant 25000 : i32
    %dma_wait3A_180 = arith.constant 0 : i32
    %dma_wait3A_181 = tpu.memref_slice %arg3[%dma_wait3A_179, %dma_wait3A_180] : memref<100000x128xf32, #tpu.memory_space<any>> -> memref<5000x128xf32, #tpu.memory_space<any>>
    tpu.wait_dma2 semaphore(%dma_wait3A_178 : memref<!tpu.dma_semaphore, #tpu.memory_space<semaphore_mem>>) src(%arg7 : memref<5000x128xf32, #tpu.memory_space<vmem>>) dst(%dma_wait3A_181 : memref<5000x128xf32, #tpu.memory_space<any>>)
    %dma_wait3A_182 = arith.constant 6 : i32
    %dma_wait3A_183 = tpu.memref_slice %arg10[%dma_wait3A_182] : memref<20x!tpu.dma_semaphore, #tpu.memory_space<semaphore_mem>> -> memref<1x!tpu.dma_semaphore, #tpu.memory_space<semaphore_mem>>
    %dma_wait3A_184 = tpu.memref_squeeze %dma_wait3A_183 : memref<1x!tpu.dma_semaphore, #tpu.memory_space<semaphore_mem>> -> memref<!tpu.dma_semaphore, #tpu.memory_space<semaphore_mem>>
    %dma_wait3A_185 = arith.constant 30000 : i32
    %dma_wait3A_186 = arith.constant 0 : i32
    %dma_wait3A_187 = tpu.memref_slice %arg3[%dma_wait3A_185, %dma_wait3A_186] : memref<100000x128xf32, #tpu.memory_space<any>> -> memref<5000x128xf32, #tpu.memory_space<any>>
    tpu.wait_dma2 semaphore(%dma_wait3A_184 : memref<!tpu.dma_semaphore, #tpu.memory_space<semaphore_mem>>) src(%arg7 : memref<5000x128xf32, #tpu.memory_space<vmem>>) dst(%dma_wait3A_187 : memref<5000x128xf32, #tpu.memory_space<any>>)
    %dma_wait3A_188 = arith.constant 7 : i32
    %dma_wait3A_189 = tpu.memref_slice %arg10[%dma_wait3A_188] : memref<20x!tpu.dma_semaphore, #tpu.memory_space<semaphore_mem>> -> memref<1x!tpu.dma_semaphore, #tpu.memory_space<semaphore_mem>>
    %dma_wait3A_190 = tpu.memref_squeeze %dma_wait3A_189 : memref<1x!tpu.dma_semaphore, #tpu.memory_space<semaphore_mem>> -> memref<!tpu.dma_semaphore, #tpu.memory_space<semaphore_mem>>
    %dma_wait3A_191 = arith.constant 35000 : i32
    %dma_wait3A_192 = arith.constant 0 : i32
    %dma_wait3A_193 = tpu.memref_slice %arg3[%dma_wait3A_191, %dma_wait3A_192] : memref<100000x128xf32, #tpu.memory_space<any>> -> memref<5000x128xf32, #tpu.memory_space<any>>
    tpu.wait_dma2 semaphore(%dma_wait3A_190 : memref<!tpu.dma_semaphore, #tpu.memory_space<semaphore_mem>>) src(%arg7 : memref<5000x128xf32, #tpu.memory_space<vmem>>) dst(%dma_wait3A_193 : memref<5000x128xf32, #tpu.memory_space<any>>)
    %dma_wait3A_194 = arith.constant 8 : i32
    %dma_wait3A_195 = tpu.memref_slice %arg10[%dma_wait3A_194] : memref<20x!tpu.dma_semaphore, #tpu.memory_space<semaphore_mem>> -> memref<1x!tpu.dma_semaphore, #tpu.memory_space<semaphore_mem>>
    %dma_wait3A_196 = tpu.memref_squeeze %dma_wait3A_195 : memref<1x!tpu.dma_semaphore, #tpu.memory_space<semaphore_mem>> -> memref<!tpu.dma_semaphore, #tpu.memory_space<semaphore_mem>>
    %dma_wait3A_197 = arith.constant 40000 : i32
    %dma_wait3A_198 = arith.constant 0 : i32
    %dma_wait3A_199 = tpu.memref_slice %arg3[%dma_wait3A_197, %dma_wait3A_198] : memref<100000x128xf32, #tpu.memory_space<any>> -> memref<5000x128xf32, #tpu.memory_space<any>>
    tpu.wait_dma2 semaphore(%dma_wait3A_196 : memref<!tpu.dma_semaphore, #tpu.memory_space<semaphore_mem>>) src(%arg7 : memref<5000x128xf32, #tpu.memory_space<vmem>>) dst(%dma_wait3A_199 : memref<5000x128xf32, #tpu.memory_space<any>>)
    %dma_wait3A_200 = arith.constant 9 : i32
    %dma_wait3A_201 = tpu.memref_slice %arg10[%dma_wait3A_200] : memref<20x!tpu.dma_semaphore, #tpu.memory_space<semaphore_mem>> -> memref<1x!tpu.dma_semaphore, #tpu.memory_space<semaphore_mem>>
    %dma_wait3A_202 = tpu.memref_squeeze %dma_wait3A_201 : memref<1x!tpu.dma_semaphore, #tpu.memory_space<semaphore_mem>> -> memref<!tpu.dma_semaphore, #tpu.memory_space<semaphore_mem>>
    %dma_wait3A_203 = arith.constant 45000 : i32
    %dma_wait3A_204 = arith.constant 0 : i32
    %dma_wait3A_205 = tpu.memref_slice %arg3[%dma_wait3A_203, %dma_wait3A_204] : memref<100000x128xf32, #tpu.memory_space<any>> -> memref<5000x128xf32, #tpu.memory_space<any>>
    tpu.wait_dma2 semaphore(%dma_wait3A_202 : memref<!tpu.dma_semaphore, #tpu.memory_space<semaphore_mem>>) src(%arg7 : memref<5000x128xf32, #tpu.memory_space<vmem>>) dst(%dma_wait3A_205 : memref<5000x128xf32, #tpu.memory_space<any>>)
    %dma_wait3A_206 = arith.constant 10 : i32
    %dma_wait3A_207 = tpu.memref_slice %arg10[%dma_wait3A_206] : memref<20x!tpu.dma_semaphore, #tpu.memory_space<semaphore_mem>> -> memref<1x!tpu.dma_semaphore, #tpu.memory_space<semaphore_mem>>
    %dma_wait3A_208 = tpu.memref_squeeze %dma_wait3A_207 : memref<1x!tpu.dma_semaphore, #tpu.memory_space<semaphore_mem>> -> memref<!tpu.dma_semaphore, #tpu.memory_space<semaphore_mem>>
    %dma_wait3A_209 = arith.constant 50000 : i32
    %dma_wait3A_210 = arith.constant 0 : i32
    %dma_wait3A_211 = tpu.memref_slice %arg3[%dma_wait3A_209, %dma_wait3A_210] : memref<100000x128xf32, #tpu.memory_space<any>> -> memref<5000x128xf32, #tpu.memory_space<any>>
    tpu.wait_dma2 semaphore(%dma_wait3A_208 : memref<!tpu.dma_semaphore, #tpu.memory_space<semaphore_mem>>) src(%arg7 : memref<5000x128xf32, #tpu.memory_space<vmem>>) dst(%dma_wait3A_211 : memref<5000x128xf32, #tpu.memory_space<any>>)
    %dma_wait3A_212 = arith.constant 11 : i32
    %dma_wait3A_213 = tpu.memref_slice %arg10[%dma_wait3A_212] : memref<20x!tpu.dma_semaphore, #tpu.memory_space<semaphore_mem>> -> memref<1x!tpu.dma_semaphore, #tpu.memory_space<semaphore_mem>>
    %dma_wait3A_214 = tpu.memref_squeeze %dma_wait3A_213 : memref<1x!tpu.dma_semaphore, #tpu.memory_space<semaphore_mem>> -> memref<!tpu.dma_semaphore, #tpu.memory_space<semaphore_mem>>
    %dma_wait3A_215 = arith.constant 55000 : i32
    %dma_wait3A_216 = arith.constant 0 : i32
    %dma_wait3A_217 = tpu.memref_slice %arg3[%dma_wait3A_215, %dma_wait3A_216] : memref<100000x128xf32, #tpu.memory_space<any>> -> memref<5000x128xf32, #tpu.memory_space<any>>
    tpu.wait_dma2 semaphore(%dma_wait3A_214 : memref<!tpu.dma_semaphore, #tpu.memory_space<semaphore_mem>>) src(%arg7 : memref<5000x128xf32, #tpu.memory_space<vmem>>) dst(%dma_wait3A_217 : memref<5000x128xf32, #tpu.memory_space<any>>)
    %dma_wait3A_218 = arith.constant 12 : i32
    %dma_wait3A_219 = tpu.memref_slice %arg10[%dma_wait3A_218] : memref<20x!tpu.dma_semaphore, #tpu.memory_space<semaphore_mem>> -> memref<1x!tpu.dma_semaphore, #tpu.memory_space<semaphore_mem>>
    %dma_wait3A_220 = tpu.memref_squeeze %dma_wait3A_219 : memref<1x!tpu.dma_semaphore, #tpu.memory_space<semaphore_mem>> -> memref<!tpu.dma_semaphore, #tpu.memory_space<semaphore_mem>>
    %dma_wait3A_221 = arith.constant 60000 : i32
    %dma_wait3A_222 = arith.constant 0 : i32
    %dma_wait3A_223 = tpu.memref_slice %arg3[%dma_wait3A_221, %dma_wait3A_222] : memref<100000x128xf32, #tpu.memory_space<any>> -> memref<5000x128xf32, #tpu.memory_space<any>>
    tpu.wait_dma2 semaphore(%dma_wait3A_220 : memref<!tpu.dma_semaphore, #tpu.memory_space<semaphore_mem>>) src(%arg7 : memref<5000x128xf32, #tpu.memory_space<vmem>>) dst(%dma_wait3A_223 : memref<5000x128xf32, #tpu.memory_space<any>>)
    %dma_wait3A_224 = arith.constant 13 : i32
    %dma_wait3A_225 = tpu.memref_slice %arg10[%dma_wait3A_224] : memref<20x!tpu.dma_semaphore, #tpu.memory_space<semaphore_mem>> -> memref<1x!tpu.dma_semaphore, #tpu.memory_space<semaphore_mem>>
    %dma_wait3A_226 = tpu.memref_squeeze %dma_wait3A_225 : memref<1x!tpu.dma_semaphore, #tpu.memory_space<semaphore_mem>> -> memref<!tpu.dma_semaphore, #tpu.memory_space<semaphore_mem>>
    %dma_wait3A_227 = arith.constant 65000 : i32
    %dma_wait3A_228 = arith.constant 0 : i32
    %dma_wait3A_229 = tpu.memref_slice %arg3[%dma_wait3A_227, %dma_wait3A_228] : memref<100000x128xf32, #tpu.memory_space<any>> -> memref<5000x128xf32, #tpu.memory_space<any>>
    tpu.wait_dma2 semaphore(%dma_wait3A_226 : memref<!tpu.dma_semaphore, #tpu.memory_space<semaphore_mem>>) src(%arg7 : memref<5000x128xf32, #tpu.memory_space<vmem>>) dst(%dma_wait3A_229 : memref<5000x128xf32, #tpu.memory_space<any>>)
    %dma_wait3A_230 = arith.constant 14 : i32
    %dma_wait3A_231 = tpu.memref_slice %arg10[%dma_wait3A_230] : memref<20x!tpu.dma_semaphore, #tpu.memory_space<semaphore_mem>> -> memref<1x!tpu.dma_semaphore, #tpu.memory_space<semaphore_mem>>
    %dma_wait3A_232 = tpu.memref_squeeze %dma_wait3A_231 : memref<1x!tpu.dma_semaphore, #tpu.memory_space<semaphore_mem>> -> memref<!tpu.dma_semaphore, #tpu.memory_space<semaphore_mem>>
    %dma_wait3A_233 = arith.constant 70000 : i32
    %dma_wait3A_234 = arith.constant 0 : i32
    %dma_wait3A_235 = tpu.memref_slice %arg3[%dma_wait3A_233, %dma_wait3A_234] : memref<100000x128xf32, #tpu.memory_space<any>> -> memref<5000x128xf32, #tpu.memory_space<any>>
    tpu.wait_dma2 semaphore(%dma_wait3A_232 : memref<!tpu.dma_semaphore, #tpu.memory_space<semaphore_mem>>) src(%arg7 : memref<5000x128xf32, #tpu.memory_space<vmem>>) dst(%dma_wait3A_235 : memref<5000x128xf32, #tpu.memory_space<any>>)
    %dma_wait3A_236 = arith.constant 15 : i32
    %dma_wait3A_237 = tpu.memref_slice %arg10[%dma_wait3A_236] : memref<20x!tpu.dma_semaphore, #tpu.memory_space<semaphore_mem>> -> memref<1x!tpu.dma_semaphore, #tpu.memory_space<semaphore_mem>>
    %dma_wait3A_238 = tpu.memref_squeeze %dma_wait3A_237 : memref<1x!tpu.dma_semaphore, #tpu.memory_space<semaphore_mem>> -> memref<!tpu.dma_semaphore, #tpu.memory_space<semaphore_mem>>
    %dma_wait3A_239 = arith.constant 75000 : i32
    %dma_wait3A_240 = arith.constant 0 : i32
    %dma_wait3A_241 = tpu.memref_slice %arg3[%dma_wait3A_239, %dma_wait3A_240] : memref<100000x128xf32, #tpu.memory_space<any>> -> memref<5000x128xf32, #tpu.memory_space<any>>
    tpu.wait_dma2 semaphore(%dma_wait3A_238 : memref<!tpu.dma_semaphore, #tpu.memory_space<semaphore_mem>>) src(%arg7 : memref<5000x128xf32, #tpu.memory_space<vmem>>) dst(%dma_wait3A_241 : memref<5000x128xf32, #tpu.memory_space<any>>)
    %dma_wait3A_242 = arith.constant 16 : i32
    %dma_wait3A_243 = tpu.memref_slice %arg10[%dma_wait3A_242] : memref<20x!tpu.dma_semaphore, #tpu.memory_space<semaphore_mem>> -> memref<1x!tpu.dma_semaphore, #tpu.memory_space<semaphore_mem>>
    %dma_wait3A_244 = tpu.memref_squeeze %dma_wait3A_243 : memref<1x!tpu.dma_semaphore, #tpu.memory_space<semaphore_mem>> -> memref<!tpu.dma_semaphore, #tpu.memory_space<semaphore_mem>>
    %dma_wait3A_245 = arith.constant 80000 : i32
    %dma_wait3A_246 = arith.constant 0 : i32
    %dma_wait3A_247 = tpu.memref_slice %arg3[%dma_wait3A_245, %dma_wait3A_246] : memref<100000x128xf32, #tpu.memory_space<any>> -> memref<5000x128xf32, #tpu.memory_space<any>>
    tpu.wait_dma2 semaphore(%dma_wait3A_244 : memref<!tpu.dma_semaphore, #tpu.memory_space<semaphore_mem>>) src(%arg7 : memref<5000x128xf32, #tpu.memory_space<vmem>>) dst(%dma_wait3A_247 : memref<5000x128xf32, #tpu.memory_space<any>>)
    %dma_wait3A_248 = arith.constant 17 : i32
    %dma_wait3A_249 = tpu.memref_slice %arg10[%dma_wait3A_248] : memref<20x!tpu.dma_semaphore, #tpu.memory_space<semaphore_mem>> -> memref<1x!tpu.dma_semaphore, #tpu.memory_space<semaphore_mem>>
    %dma_wait3A_250 = tpu.memref_squeeze %dma_wait3A_249 : memref<1x!tpu.dma_semaphore, #tpu.memory_space<semaphore_mem>> -> memref<!tpu.dma_semaphore, #tpu.memory_space<semaphore_mem>>
    %dma_wait3A_251 = arith.constant 85000 : i32
    %dma_wait3A_252 = arith.constant 0 : i32
    %dma_wait3A_253 = tpu.memref_slice %arg3[%dma_wait3A_251, %dma_wait3A_252] : memref<100000x128xf32, #tpu.memory_space<any>> -> memref<5000x128xf32, #tpu.memory_space<any>>
    tpu.wait_dma2 semaphore(%dma_wait3A_250 : memref<!tpu.dma_semaphore, #tpu.memory_space<semaphore_mem>>) src(%arg7 : memref<5000x128xf32, #tpu.memory_space<vmem>>) dst(%dma_wait3A_253 : memref<5000x128xf32, #tpu.memory_space<any>>)
    %dma_wait3A_254 = arith.constant 18 : i32
    %dma_wait3A_255 = tpu.memref_slice %arg10[%dma_wait3A_254] : memref<20x!tpu.dma_semaphore, #tpu.memory_space<semaphore_mem>> -> memref<1x!tpu.dma_semaphore, #tpu.memory_space<semaphore_mem>>
    %dma_wait3A_256 = tpu.memref_squeeze %dma_wait3A_255 : memref<1x!tpu.dma_semaphore, #tpu.memory_space<semaphore_mem>> -> memref<!tpu.dma_semaphore, #tpu.memory_space<semaphore_mem>>
    %dma_wait3A_257 = arith.constant 90000 : i32
    %dma_wait3A_258 = arith.constant 0 : i32
    %dma_wait3A_259 = tpu.memref_slice %arg3[%dma_wait3A_257, %dma_wait3A_258] : memref<100000x128xf32, #tpu.memory_space<any>> -> memref<5000x128xf32, #tpu.memory_space<any>>
    tpu.wait_dma2 semaphore(%dma_wait3A_256 : memref<!tpu.dma_semaphore, #tpu.memory_space<semaphore_mem>>) src(%arg7 : memref<5000x128xf32, #tpu.memory_space<vmem>>) dst(%dma_wait3A_259 : memref<5000x128xf32, #tpu.memory_space<any>>)
    %dma_wait3A_260 = arith.constant 19 : i32
    %dma_wait3A_261 = tpu.memref_slice %arg10[%dma_wait3A_260] : memref<20x!tpu.dma_semaphore, #tpu.memory_space<semaphore_mem>> -> memref<1x!tpu.dma_semaphore, #tpu.memory_space<semaphore_mem>>
    %dma_wait3A_262 = tpu.memref_squeeze %dma_wait3A_261 : memref<1x!tpu.dma_semaphore, #tpu.memory_space<semaphore_mem>> -> memref<!tpu.dma_semaphore, #tpu.memory_space<semaphore_mem>>
    %dma_wait3A_263 = arith.constant 95000 : i32
    %dma_wait3A_264 = arith.constant 0 : i32
    %dma_wait3A_265 = tpu.memref_slice %arg3[%dma_wait3A_263, %dma_wait3A_264] : memref<100000x128xf32, #tpu.memory_space<any>> -> memref<5000x128xf32, #tpu.memory_space<any>>
    tpu.wait_dma2 semaphore(%dma_wait3A_262 : memref<!tpu.dma_semaphore, #tpu.memory_space<semaphore_mem>>) src(%arg7 : memref<5000x128xf32, #tpu.memory_space<vmem>>) dst(%dma_wait3A_265 : memref<5000x128xf32, #tpu.memory_space<any>>)
    tpu.wait_dma2 semaphore(%arg12 : memref<!tpu.dma_semaphore, #tpu.memory_space<semaphore_mem>>) src(%arg9 : memref<1x128xf32, #tpu.memory_space<vmem>>) dst(%arg4 : memref<1x128xf32, #tpu.memory_space<any>>)
    return
  }
}

</mosaic_0001>

<sc_bundles>
// kernel: kernel.4.cloned.1.call-start
scs
__scs_entry_jumppad:
0x0: {  	(pc) =	sbr.rel $0x88, $3  }
0x1: {  	(tag) =	ssettag $0x0;
	lr =	simm.s32 $0x1  }
0x2: {  	[smem:$0x3F9E] =	sst lr;
	_ =	strace $0xD0000000  }
0x3: {  	_ = 	snop  }
0x4: {  	_ = 	snop  }
0x5: {  	_ = 	snop  }
0x6: {  	_ = 	snop  }
0x7: {  	_ = 	snop  }
__scs_overlays_trampoline_lowered:
0x8: {  	[smem:$0x3FAD] =	sst s0  }
0x9: {  	[smem:$0x3FAE] =	sst s1  }
0xa: {  	[smem:$0x3FAF] =	sst s2  }
0xb: {  	[smem:$0x3FB0] =	sst s3  }
0xc: {  	[smem:$0x3FB1] =	sst s4  }
0xd: {  	[smem:$0x3FB2] =	sst s5  }
0xe: {  	[smem:$0x3FB3] =	sst s6  }
0xf: {  	[smem:$0x3FB4] =	sst s7  }
0x10: {  	[smem:$0x3FB5] =	sst s8  }
0x11: {  	[smem:$0x3FB6] =	sst s9;
	s0 =	simm.s32 @!p0 $0x0  }
0x12: {  	s1 =	sld [smem:$0x3F9C];
	s0 =	simm.s32 @p0 $0x1  }
0x13: {  	[smem:$0x3FB7] =	sst s0;
	s0 =	simm.s32 @!p1 $0x0  }
0x14: {  	s2 =	sld [smem:$0x3F9B];
	s0 =	simm.s32 @p1 $0x1  }
0x15: {  	[smem:$0x3FB8] =	sst s0;
	s0 =	simm.s32 @!p2 $0x0  }
0x16: {  	s3 =	sld [smem:$0x3FDB];
	s0 =	simm.s32 @p2 $0x1  }
0x17: {  	s4 =	simm.s32 $0x1BF5;
	[smem:$0x3FBA] =	sst s0  }
0x18: {  	s0 =	sld [smem:$0x3F9D];
	_ =	swait.ge [sflag:s4], $0x0  }
0x19: {  	s7 =	sld [smem:$0x3F9E]  }
0x1a: {  	s8 =	sadd.s32 $0xFFFFE003, lr  }
0x1b: {  	s9 =	sadd.s32 $0xFFFFFEF7, lr;
	s5 =	simm.s32 $0xFFFFFFFF;
	p2 =	slt.u32 s8, $0xFFFFF086  }
0x1c: {  	p1 =	slt.u32 s9, $0xF7A;
	s5 =	simm.s32 @!p2 $0x0  }
0x1d: {  	s5 =	simm.s32 @p1 $0x1;
	p0 =	seq.s32 s7, s2  }
0x1e: {  	s7 =	smul.u32 @!p0 $0xF7A, s2;
	p2 =	seq.s32 @!p0 s5, $0x0  }
0x1f: {  	s9 =	smul.u32 $0xF7A, s1;
	s8 =	simm.s32 @!p0 $0x1BF5;
	p2 =	por !p2, p0  }
0x20: {  	[sflag:s8] =	ssyncset.s32 @!p0 $0xFFFFF086;
	s6 =	sadd.s32 @!p0 s3, s7;
	s7 =	simm.s32 @!p0 $0x108  }
0x21: {  	s3 =	sadd.s32 s3, s9;
	s6 =	sadd.s32 @!p0 $0x88, s6;
	s7 =	simm.s32 @p2 $0x1082  }
0x22: {  	[simem:s7], [sflag:s8] =	dma.local @!p0 [hbm:s6], $0xF7A  }
0x23: {  	s9 =	sor.u32 $0xD0000000, s2;
	s6 =	simm.s32 $0x108;
	_ =	swait.ge @!p0 [sflag:s8], $0x0  }
0x24: {  	s3 =	sadd.s32 $0x88, s3;
	s6 =	simm.s32 @!p1 $0x1082;
	[sflag:s4] =	ssyncset.s32 $0xFFFFF086  }
0x25: {  	[simem:s6], [sflag:s4] =	dma.local [hbm:s3], $0xF7A  }
0x26: {  	[smem:$0x3F9E] =	sst s1;
	(tag) =	ssettag s2;
	_ =	strace s9  }
0x27: {  	s1 =	sld [smem:$0x3FAE]  }
0x28: {  	s2 =	sld [smem:$0x3FAF]  }
0x29: {  	s4 =	sld [smem:$0x3FB1]  }
0x2a: {  	p0 =	seq.s32 s5, $0x0;
	s5 =	sld [smem:$0x3FB2]  }
0x2b: {  	s6 =	sld [smem:$0x3FB3]  }
0x2c: {  	s7 =	sld [smem:$0x3FB4]  }
0x2d: {  	s3 =	simm.s32 $0x108;
	s8 =	sld [smem:$0x3FB5]  }
0x2e: {  	s3 =	simm.s32 @!p0 $0x1082;
	s9 =	sld [smem:$0x3FB6]  }
0x2f: {  	lr =	sadd.s32 s0, s3;
	s0 =	sld [smem:$0x3FAD]  }
0x30: {  	s3 =	sld [smem:$0x3FB0]  }
0x31: {  	[smem:$0x3FB9] =	sst s10  }
0x32: {  	s10 =	sld [smem:$0x3FB7];
	_ =	sdelay $0x3  }
0x33: {  	p0 =	seq.s32 s10, $0x1;
	s10 =	sld [smem:$0x3FB9];
	_ =	sdelay $0x3  }
0x34: {  	[smem:$0x3FB9] =	sst s10  }
0x35: {  	s10 =	sld [smem:$0x3FB8];
	_ =	sdelay $0x3  }
0x36: {  	p1 =	seq.s32 s10, $0x1;
	s10 =	sld [smem:$0x3FB9];
	_ =	sdelay $0x3  }
0x37: {  	[smem:$0x3FB9] =	sst s10  }
0x38: {  	s10 =	sld [smem:$0x3FBA]  }
0x39: {  	_ = 	snop;
	(pc) =	sbr.ind lr, $3  }
0x3a: {  	_ = 	snop  }
0x3b: {  	_ = 	snop  }
0x3c: {  	p2 =	seq.s32 s10, $0x1;
	s10 =	sld [smem:$0x3FB9]  }
0x3d: {  	_ =	shalt  }
0x3e: {  	_ =	shalt  }
0x3f: {  	_ =	shalt  }
0x40: {  	_ =	shalt  }
0x41: {  	_ =	shalt  }
0x42: {  	_ =	shalt  }
0x43: {  	_ =	shalt  }
0x44: {  	_ =	shalt  }
0x45: {  	_ =	shalt  }
0x46: {  	_ =	shalt  }
0x47: {  	_ =	shalt  }
0x48: {  	_ =	shalt  }
0x49: {  	_ =	shalt  }
0x4a: {  	_ =	shalt  }
0x4b: {  	_ =	shalt  }
0x4c: {  	_ =	shalt  }
0x4d: {  	_ =	shalt  }
0x4e: {  	_ =	shalt  }
0x4f: {  	_ =	shalt  }
0x50: {  	_ =	shalt  }
0x51: {  	_ =	shalt  }
0x52: {  	_ =	shalt  }
0x53: {  	_ =	shalt  }
0x54: {  	_ =	shalt  }
0x55: {  	_ =	shalt  }
0x56: {  	_ =	shalt  }
0x57: {  	_ =	shalt  }
0x58: {  	_ =	shalt  }
0x59: {  	_ =	shalt  }
0x5a: {  	_ =	shalt  }
0x5b: {  	_ =	shalt  }
0x5c: {  	_ =	shalt  }
0x5d: {  	_ =	shalt  }
0x5e: {  	_ =	shalt  }
0x5f: {  	_ =	shalt  }
0x60: {  	_ =	shalt  }
0x61: {  	_ =	shalt  }
0x62: {  	_ =	shalt  }
0x63: {  	_ =	shalt  }
0x64: {  	_ =	shalt  }
0x65: {  	_ =	shalt  }
0x66: {  	_ =	shalt  }
0x67: {  	_ =	shalt  }
0x68: {  	_ =	shalt  }
0x69: {  	_ =	shalt  }
0x6a: {  	_ =	shalt  }
0x6b: {  	_ =	shalt  }
0x6c: {  	_ =	shalt  }
0x6d: {  	_ =	shalt  }
0x6e: {  	_ =	shalt  }
0x6f: {  	_ =	shalt  }
0x70: {  	_ =	shalt  }
0x71: {  	_ =	shalt  }
0x72: {  	_ =	shalt  }
0x73: {  	_ =	shalt  }
0x74: {  	_ =	shalt  }
0x75: {  	_ =	shalt  }
0x76: {  	_ =	shalt  }
0x77: {  	_ =	shalt  }
0x78: {  	_ =	shalt  }
0x79: {  	_ =	shalt  }
0x7a: {  	_ =	shalt  }
0x7b: {  	_ =	shalt  }
0x7c: {  	_ =	shalt  }
0x7d: {  	_ =	shalt  }
0x7e: {  	_ =	shalt  }
0x7f: {  	_ =	shalt  }
0x80: {  	_ =	shalt  }
0x81: {  	_ =	shalt  }
0x82: {  	_ =	shalt  }
0x83: {  	_ =	shalt  }
0x84: {  	_ =	shalt  }
0x85: {  	_ =	shalt  }
0x86: {  	_ =	shalt  }
0x87: {  	_ =	shalt  }
.Lfunc_end0:
.L_simem_size_0:
called_computation_lowered:
.L_overlay_start_0:
0x88: {  	s2 =	sld [smem:$0x3FD9]  }
0x89: {  	s3 =	sld [smem:$0x3FFE];
	_ =	sdelay $0x1  }
0x8a: {  	s1 =	srdreg.scid  }
0x8b: {  	s0 =	sand.u32 $0x1, s1  }
0x8c: {  	s14 =	sshll.u32 s0, $0xA;
	s2 =	sadd.s32 s3, s2  }
0x8d: {  	s2 =	sadd.s32 s2, s14  }
0x8e: {  	[smem:$0x3FC5] =	sst s2  }
0x8f: {  	_ = 	snop  }
0x90: {  	s2 =	sld [smem:$0x3FD0];
	_ =	sdelay $0x2  }
0x91: {  	s4 =	simm.s32 $0xA;
	s5 =	simm.s32 $0x10;
	s15 =	sld [smem:$0x3FC8]  }
0x92: {  	[smem:s5], [sflag:s4] =	dma.local [hbm:s2], $0x1  }
0x93: {  	_ =	swait.eq [sflag:s4], $0x1  }
0x94: {  	[sflag:s4] =	ssyncset.done $0x0  }
0x95: {  	[sflag:s4] =	ssyncadd.s32 $0xFFFFFFFF  }
0x96: {  	s16 =	sld [smem:$0x10];
	(tm) =	ssettm $0x1  }
0x97: {  	s17 =	sld [smem:$0x3FFB];
	_ =	sdelay $0x3  }
0x98: {  	_ =	strace s17  }
0x99: {  	s4 =	sld [smem:$0x3FFC];
	_ =	sdelay $0x3  }
0x9a: {  	_ =	strace s4  }
0x9b: {  	s4 =	sld [smem:$0x3FFD];
	_ =	sdelay $0x3  }
0x9c: {  	_ =	strace s4  }
0x9d: {  	_ =	strace $0x8FFFFFFF  }
0x9e: {  	s18 =	sld [smem:$0x3FDB];
	_ =	sdelay $0x1  }
0x9f: {  	s19 =	simm.s32 $_scs_section_size  }
0xa0: {  	s6 =	simm.s32 $_size__tile_overlayer_lowered;
	s7 =	simm.s32 $_tile_overlayer_lowered  }
0xa1: {  	s22 =	simm.s32 $0x1BFF;
	s21 =	sshll.u32 s7, $0x1;
	s4 =	sadd.s32 s19, s18  }
0xa2: {  	s8 =	simm.s32 $0x0;
	s20 =	sshll.u32 s6, $0x1;
	s6 =	sadd.s32 s21, s4  }
0xa3: {  	[timem:s8], [sflag:s22] =	dma.local [hbm:s6], s20  }
0xa4: {  	_ =	swait.ge [sflag:s22], s20  }
0xa5: {  	s5 =	ssub.s32 $0x0, s20;
	[sflag:s22] =	ssyncset.done $0x0  }
0xa6: {  	[sflag:s22] =	ssyncadd.s32 s5;
	_ =	sdelay $0x1  }
0xa7: {  	s23 =	simm.s32 $0x1B8B  }
0xa8: {  	_ =	swait.ge [sflag:s23], $0x1  }
0xa9: {  	[sflag:s23] =	ssyncset.done $0x0  }
0xaa: {  	s25 =	simm.s32 $0x1B8E;
	s24 =	sld [smem:$0x3FFE];
	[sflag:s23] =	ssyncadd.s32 $0xFFFFFFFF  }
0xab: {  	s26 =	simm.s32 $execute0_lowered;
	[smem:$0x3FD2] =	sst s25  }
0xac: {  	s6 =	sshll.u32 s26, $0x1;
	_ =	strace $0x80000046;
	[dreg:$0x1] =	wrdreg $0xFFFFFFFF  }
0xad: {  	s28 =	simm.s32 $_size_execute0_lowered;
	s4 =	sadd.s32 s4, s6;
	[dreg:$0x0] =	wrdreg $0x0  }
0xae: {  	s6 =	sshll.u32 s28, $0x1;
	[dreg:$0x2] =	wrdreg s4  }
0xaf: {  	[dreg:$0x3] =	wrdreg s6  }
0xb0: {  	[dreg:$0x4] =	wrdreg $0xC0  }
0xb1: {  	_ =	task [dreg:s8], $0x5FFFF  }
0xb2: {  	[dreg:$0x1] =	wrdreg $0xFFFFFFFF  }
0xb3: {  	[dreg:$0x0] =	wrdreg $0x60  }
0xb4: {  	[dreg:$0x2] =	wrdreg s16  }
0xb5: {  	[dreg:$0x3] =	wrdreg s24  }
0xb6: {  	[dreg:$0x4] =	wrdreg s15  }
0xb7: {  	[dreg:$0x5] =	wrdreg $0x9  }
0xb8: {  	_ =	task.clear_ibuf [dreg:s8], $0x6FFFF;
	_ =	strace $0x90000046  }
0xb9: {  	s29 =	simm.s32 $0x9;
	_ =	strace $0x80000048  }
0xba: {  	_ =	swait.ge [sflag:s29], $0x1  }
0xbb: {  	[sflag:s29] =	ssyncadd.s32 $0xFFFFFFFF  }
0xbc: {  	_ =	strace $0x90000048  }
0xbd: {  	_ =	sfence  }
0xbe: {  	s30 =	sld [smem:$0x0];
	_ =	sdelay $0x2  }
0xbf: {  	s31 =	sshll.u32 s1, $0xD;
	s1 =	sshrl.u32 s1, $0x2  }
0xc0: {  	s3 =	sand.u32 $0x4000, s31;
	s1 =	sadd.s32 s1, s30  }
0xc1: {  	s0 =	sor.u32 s3, s0;
	s1 =	sshll.u32 s1, $0x11  }
0xc2: {  	s0 =	sor.u32 s1, s0  }
0xc3: {  	s0 =	sadd.s32 $0x8F2B, s0  }
0xc4: {  	[sflag:s0] =	ssyncadd.remote.s32 $0x1  }
0xc5: {  	_ =	sfence.sel $0xFFFF  }
0xc6: {  	[dreg:$0x0] =	wrdreg $0xFFFFFFFF;
	(pc) =	sbr.abs _section_cstart, $3  }
0xc7: {  	[dreg:$0x1] =	wrdreg $0xFFFFFFFF  }
0xc8: {  	_ =	task.clear_ibuf [dreg:s8], $0x2FFFF;
	_ =	strace $0x9FFFFFFF  }
0xc9: {  	(tm) =	ssettm $0x7FFFFFFF  }
tec
execute0_lowered:
.L_overlay_start_1:
0x0: {  	(tag) =	ssettag $0x1  }
0x1: {  	s0 =	srdreg.scid  }
0x2: {  	s8 =	sand.u32 $0x1, s0;
	s0 =	stileid.u32  }
0x3: {  	s4 =	sor.u32 s0, s8  }
0x4: {  	p0 =	sne.s32 s4, $0x0  }
.Ltmp0:
0x5: {  	_ = 	snop;
	(pc) =	sbr.rel @p0 .LBB2_4-.Ltmp0, $4  }
0x6: {  	s2 =	rddreg [dreg:$0x0]  }
0x7: {  	s6 =	rddreg [dreg:$0x1]  }
0x8: {  	s3 =	rddreg [dreg:$0x2]  }
0x9: {  	s1 =	rddreg [dreg:$0x3];
	_ =	strace $0x80000047  }
0xa: {  	s4 =	simm.s32 $0x0;
	s5 =	simm.s32 $0x2  }
0xb: {  	[tilespmem:s4], [sflag:$0x2] =	stream.linear.gather [hbm4b:s3+s4], $0x80, $0x38;
	[tilespmem:$0x100] =	vst v63  }
0xc: {  	s8 =	ssub.s32 $0x2, s8;
	_ =	swait.ge [sflag:s5], $0x80  }
0xd: {  	s6 =	sadd.s32 $0xC00, s6;
	s9 =	sshrl.u32 s8, $0x1;
	[sflag:s5] =	ssyncset.done $0x0  }
0xe: {  	s7 =	simm.s32 $0x80;
	s9 =	ssub.s32 s8, s9;
	[sflag:s5] =	ssyncadd.s32 $0xFFFFFF80  }
0xf: {  	[tilespmem:s7], [sflag:$0x2] =	stream.linear.gather [hbm4b:s6+s4], $0x80, $0x38;
	[tilespmem:$0x100] =	vst v63  }
0x10: {  	p0 =	sne.s32 s9, $0x1;
	_ =	swait.ge [sflag:s5], $0x80  }
.Ltmp1:
0x11: {  	[sflag:s5] =	ssyncset.done $0x0;
	(pc) =	sbr.rel @!p0 .LBB2_3-.Ltmp1, $4  }
0x12: {  	s8 =	simm.s32 $0x1;
	[sflag:s5] =	ssyncadd.s32 $0xFFFFFF80  }
0x13: {  	[hbm4b:s2+s8] =	stream.indirect.scatter [tilespmem:s7], [sflag:$0x1], $0x80, s4, s8, $0xb8;
	[tilespmem:$0x100] =	vst v63  }
0x14: {  	_ =	swait.ge [sflag:s8], $0x80  }
0x15: {  	s9 =	sadd.s32 $0xFFFFFFFF, s9;
	[sflag:s8] =	ssyncset.done $0x0  }
.LBB2_2:
0x16: {  	p0 =	sne.s32 s9, $0x1;
	s9 =	sadd.s32 $0xFFFFFFFF, s9;
	[sflag:s8] =	ssyncadd.s32 $0xFFFFFF80  }
0x17: {  	[tilespmem:s4], [sflag:$0x2] =	stream.linear.gather [hbm4b:s3+s4], $0x80, $0x38;
	[tilespmem:$0x100] =	vst v63  }
0x18: {  	_ =	swait.ge [sflag:s5], $0x80  }
0x19: {  	[sflag:s5] =	ssyncset.done $0x0  }
0x1a: {  	[sflag:s5] =	ssyncadd.s32 $0xFFFFFF80  }
0x1b: {  	[tilespmem:s7], [sflag:$0x2] =	stream.linear.gather [hbm4b:s6+s4], $0x80, $0x38;
	[tilespmem:$0x100] =	vst v63  }
0x1c: {  	_ =	swait.ge [sflag:s5], $0x80  }
.Ltmp2:
0x1d: {  	[sflag:s5] =	ssyncset.done $0x0;
	(pc) =	sbr.rel @p0 .LBB2_2-.Ltmp2, $4  }
0x1e: {  	[sflag:s5] =	ssyncadd.s32 $0xFFFFFF80  }
0x1f: {  	[hbm4b:s2+s8] =	stream.indirect.scatter [tilespmem:s7], [sflag:$0x1], $0x80, s4, s8, $0xb8;
	[tilespmem:$0x100] =	vst v63  }
0x20: {  	_ =	swait.ge [sflag:s8], $0x80  }
0x21: {  	[sflag:s8] =	ssyncset.done $0x0  }
.LBB2_3:
0x22: {  	[sflag:s8] =	ssyncadd.s32 $0xFFFFFF80  }
.LBB2_4:
0x23: {  	_ =	sfence.sel $0x180000  }
0x24: {  	[bflag:$0x0] =	sbarrier.arrive $0xFFFF  }
0x25: {  	p0 =	sne.s32 s0, $0x0;
	_ =	strace $0x90000047  }
0x26: {  	s0 =	sadd.s32 @!p0 $0x100000, s1;
	[bflag:$0x2] =	sbarrier.arrive $0xFFFF  }
0x27: {  	[sflag:s0] =	ssyncadd.tile.s32 @!p0 $0x1;
	_ =	shalt  }
.Lfunc_end2:
_tile_overlayer_lowered:
.L_overlay_start_2:
0x28: {  	(tag) =	ssettag $0x2  }
0x29: {  	s0 =	rddreg [dreg:$0x0];
	s2 =	stileid.u32  }
0x2a: {  	s1 =	rddreg [dreg:$0x1];
	p0 =	sne.s32 s2, $0x0  }
0x2b: {  	s3 =	rddreg [dreg:$0x2];
	[bflag:$0x3] =	sbarrier.arrive $0xFFFF;
	s2 =	simm.s32 @!p0 $0x1C02  }
0x2c: {  	[timem:s3], [sflag:s2] =	dma.local @!p0 [hbm:s0], s1  }
0x2d: {  	s0 =	simm.s32 @!p0 $0x2  }
0x2e: {  	_ =	swait.ge @!p0 [sflag:s0], s1  }
0x2f: {  	s1 =	ssub.s32 @!p0 $0x0, s1;
	[sflag:s0] =	ssyncset.done @!p0 $0x0  }
0x30: {  	[sflag:s0] =	ssyncadd.s32 @!p0 s1  }
0x31: {  	[bflag:$0x3] =	sbarrier.arrive $0xFFFF  }
0x32: {  	_ =	shalt  }

</sc_bundles>
